<compile_context>
chip_gen: v7x
topology: tpu7x:2x2x1
jax: 0.10.2.dev20260603
libtpu: 0.0.44.dev20260713+nightly
codegen_flags: <defaults>
</compile_context>

<pallas_src>
import jax
import jax.numpy as jnp
from jax import lax
from jax.experimental import pallas as pl
from jax.experimental.pallas import tpu as pltpu
from jax.experimental.pallas import tpu_sc as plsc

B = 16384
W = 20
D = 64
EPSV = 1e-15

NC = 2
NS = 16
NW = NC * NS
BPW = B // NW
CB = 16
NCHUNK = BPW // CB
LN2 = 0.6931471805599453


def _vlog(x):
    bits = lax.bitcast_convert_type(x, jnp.int32)
    e = jnp.right_shift(bits, 23) - 127
    m = lax.bitcast_convert_type(
        jnp.bitwise_or(jnp.bitwise_and(bits, 0x7FFFFF), 0x3F800000), jnp.float32)
    big = m > 1.4142135
    m = jnp.where(big, m * 0.5, m)
    ef = e.astype(jnp.float32) + jnp.where(big, 1.0, 0.0)
    t = (m - 1.0) / (m + 1.0)
    t2 = t * t
    s = t * (2.0 + t2 * (2.0 / 3.0 + t2 * (2.0 / 5.0 + t2 * (2.0 / 7.0
                                                             + t2 * (2.0 / 9.0)))))
    return ef * LN2 + s


def _sc_body(start_hbm, pos_hbm, neg_hbm, table_hbm, out_hbm,
             idx_s, idx_p, idx_n,
             rs0, rp0, rn0, rs1, rp1, rn1,
             out_v, sem0, sem1):
    wid = lax.axis_index("s")
    cid = lax.axis_index("c")
    il = lax.iota(jnp.int32, 16)
    rot5 = (il * 5) & (D - 1)
    zero16 = jnp.zeros((16,), jnp.float32)

    pltpu.sync_copy(start_hbm.at[pl.ds(pl.multiple_of(wid * BPW, BPW), BPW)],
                    idx_s)
    pltpu.sync_copy(pos_hbm.at[pl.ds(pl.multiple_of(wid * BPW * W, BPW * W),
                                     BPW * W)], idx_p)
    pltpu.sync_copy(neg_hbm.at[pl.ds(pl.multiple_of(wid * BPW * W, BPW * W),
                                     BPW * W)], idx_n)

    def fire(c, rs, rp, rn, sem):
        pltpu.async_copy(table_hbm.at[idx_s.at[pl.ds(c * CB, CB)]], rs, sem)
        pltpu.async_copy(table_hbm.at[idx_p.at[pl.ds(c * CB * W, CB * W)]],
                         rp, sem)
        pltpu.async_copy(table_hbm.at[idx_n.at[pl.ds(c * CB * W, CB * W)]],
                         rn, sem)

    def drain(c, rs, rp, rn, sem):
        pltpu.make_async_copy(table_hbm.at[idx_s.at[pl.ds(c * CB, CB)]],
                              rs, sem).wait()
        pltpu.make_async_copy(table_hbm.at[idx_p.at[pl.ds(c * CB * W, CB * W)]],
                              rp, sem).wait()
        pltpu.make_async_copy(table_hbm.at[idx_n.at[pl.ds(c * CB * W, CB * W)]],
                              rn, sem).wait()

    def compute(c, rs, rp, rn):
        def w_body(w, carry):
            accpl, accnl = carry
            rowv = il * W + w
            accp = zero16
            accn = zero16
            for t in range(D):
                dv = (rot5 + t) & (D - 1)
                sv = plsc.load_gather(rs, [il, dv])
                pv = plsc.load_gather(rp, [rowv, dv])
                nv = plsc.load_gather(rn, [rowv, dv])
                accp = accp + pv * sv
                accn = accn + nv * sv
            pprob = 1.0 / (1.0 + jnp.exp(-accp))
            nprob = 1.0 / (1.0 + jnp.exp(-accn))
            accpl = accpl + _vlog(pprob + EPSV)
            accnl = accnl + _vlog(1.0 - nprob + EPSV)
            return accpl, accnl

        accpl, accnl = lax.fori_loop(0, W, w_body, (zero16, zero16))
        out_v[pl.ds(c * CB, CB)] = -(accpl + accnl) * (1.0 / W)

    @pl.when(cid == 0)
    def _prime():
        fire(0, rs0, rp0, rn0, sem0)

    def pair_body(i, _):
        c0 = i * 2
        c1 = i * 2 + 1
        fire(c1, rs1, rp1, rn1, sem1)
        drain(c0, rs0, rp0, rn0, sem0)

        @pl.when(i < NCHUNK // 2 - 1)
        def _():
            fire(c0 + 2, rs0, rp0, rn0, sem0)

        drain(c1, rs1, rp1, rn1, sem1)
        return ()

    @pl.when(cid == 0)
    def _run():
        lax.fori_loop(0, NCHUNK // 2, pair_body, ())

    pltpu.sync_copy(out_v,
                    out_hbm.at[pl.ds(pl.multiple_of(wid * BPW, BPW), BPW)])


def kernel(start_node, pos_samples, neg_samples, start_embeds):
    start_flat = start_node.reshape(B)
    pos_flat = pos_samples.reshape(B * W)
    neg_flat = neg_samples.reshape(B * W)

    fn = pl.kernel(
        _sc_body,
        out_type=jax.ShapeDtypeStruct((B,), jnp.float32),
        mesh=plsc.VectorSubcoreMesh(core_axis_name="c", subcore_axis_name="s"),
        compiler_params=pltpu.CompilerParams(
            needs_layout_passes=False, use_tc_tiling_on_sc=False),
        scratch_types=[
            pltpu.VMEM((BPW,), jnp.int32),
            pltpu.VMEM((BPW * W,), jnp.int32),
            pltpu.VMEM((BPW * W,), jnp.int32),
            pltpu.VMEM((CB, D), jnp.float32),
            pltpu.VMEM((CB * W, D), jnp.float32),
            pltpu.VMEM((CB * W, D), jnp.float32),
            pltpu.VMEM((CB, D), jnp.float32),
            pltpu.VMEM((CB * W, D), jnp.float32),
            pltpu.VMEM((CB * W, D), jnp.float32),
            pltpu.VMEM((BPW,), jnp.float32),
            pltpu.SemaphoreType.DMA,
            pltpu.SemaphoreType.DMA,
        ],
    )
    return fn(start_flat, pos_flat, neg_flat, start_embeds)

# --- scband reference (transcript-rebuilt; emitter-appended) ---
"""Pipeline reference for scband-node2-vec-15075335209512 (READ-ONLY COPY).

The authoritative reference and input builder live on the scoring server;
editing this copy changes nothing except your own understanding.
"""

import jax, jax.numpy as jnp
import numpy as np

NODE_SIZE = 1000000
EMBED_DIM = 64
BATCH = 16384
WIN = 20
EPS = 1e-15


def setup_inputs(seed: int = 0) -> dict:
    key = jax.random.key(seed)
    k0, k1, k2, k3 = jax.random.split(key, 4)
    start_node = jax.random.randint(k0, (BATCH, 1), 0, NODE_SIZE, dtype=jnp.int64 if jax.config.jax_enable_x64 else jnp.int32).astype(jnp.int32)
    pos_samples = jax.random.randint(k1, (BATCH, WIN), 0, NODE_SIZE).astype(jnp.int32)
    neg_samples = jax.random.randint(k2, (BATCH, WIN), 0, NODE_SIZE).astype(jnp.int32)
    start_embeds = jax.random.normal(k3, (NODE_SIZE, EMBED_DIM), dtype=jnp.float32) * np.sqrt(1.0 / EMBED_DIM)
    return {
        "start_node": start_node,
        "pos_samples": pos_samples,
        "neg_samples": neg_samples,
        "start_embeds": start_embeds,
    }


def reference(start_node, pos_samples, neg_samples, start_embeds):
    # Node2Vec skip-gram with negative sampling.
    # (The torch module resamples neg_samples uniformly inside forward; here
    # the provided neg_samples are already uniform-random in [0, node_size).)
    start_emb = jnp.take(start_embeds, start_node, axis=0)   # [B, 1, D]
    pos_emb = jnp.take(start_embeds, pos_samples, axis=0)    # [B, W, D]
    neg_emb = jnp.take(start_embeds, neg_samples, axis=0)    # [B, W, D]
    pos_dot = (start_emb * pos_emb).sum(axis=-1)             # [B, W]
    neg_dot = (start_emb * neg_emb).sum(axis=-1)             # [B, W]
    pos_prob = jax.nn.sigmoid(pos_dot)
    neg_prob = jax.nn.sigmoid(neg_dot)
    loss = -jnp.log(pos_prob + EPS).mean(axis=1) - jnp.log(1.0 - neg_prob + EPS).mean(axis=1)
    return loss

if __name__ == "__main__":
    import jax
    _d = setup_inputs()
    print(jax.jit(kernel)(*tuple(_d.values())))

</pallas_src>

<mosaic_0001>
#map = affine_map<(d0, d1) -> (0)>
#map1 = affine_map<(d0, d1) -> (0, 0)>
module attributes {stable_mosaic.version = 14 : i64} {
  func.func @_sc_body(%arg0: i32, %arg1: i32, %arg2: memref<16384xi32, #tpu.memory_space<hbm>>, %arg3: memref<327680xi32, #tpu.memory_space<hbm>>, %arg4: memref<327680xi32, #tpu.memory_space<hbm>>, %arg5: memref<1000000x64xf32, #tpu.memory_space<hbm>>, %arg6: memref<16384xf32, #tpu.memory_space<hbm>>, %arg7: memref<512xi32, #tpu.memory_space<vmem>>, %arg8: memref<10240xi32, #tpu.memory_space<vmem>>, %arg9: memref<10240xi32, #tpu.memory_space<vmem>>, %arg10: memref<16x64xf32, #tpu.memory_space<vmem>>, %arg11: memref<320x64xf32, #tpu.memory_space<vmem>>, %arg12: memref<320x64xf32, #tpu.memory_space<vmem>>, %arg13: memref<16x64xf32, #tpu.memory_space<vmem>>, %arg14: memref<320x64xf32, #tpu.memory_space<vmem>>, %arg15: memref<320x64xf32, #tpu.memory_space<vmem>>, %arg16: memref<512xf32, #tpu.memory_space<vmem>>, %arg17: memref<!tpu.dma_semaphore, #tpu.memory_space<semaphore_mem>>, %arg18: memref<!tpu.dma_semaphore, #tpu.memory_space<semaphore_mem>>) attributes {dimension_semantics = [#tpu.dimension_semantics<core_parallel>, #tpu.dimension_semantics<subcore_parallel>], iteration_bounds = array<i64: 2, 16>, scalar_prefetch = 0 : i64, scratch_operands = 12 : i64, tpu.core_type = #tpu.core_type<sc_vector_subcore>, window_params = [{transform_indices = #map}, {transform_indices = #map}, {transform_indices = #map}, {transform_indices = #map1}, {transform_indices = #map}]} {
    %iota3A = tpu.iota {dimensions = array<i32: 0>} : vector<16xi32>
    %mul3A = arith.constant 5 : i32
    %mul3A_0 = vector.broadcast %mul3A : i32 to vector<16xi32>
    %mul3A_1 = arith.muli %iota3A, %mul3A_0 : vector<16xi32>
    %and3A = arith.constant 63 : i32
    %and3A_2 = vector.broadcast %and3A : i32 to vector<16xi32>
    %and3A_3 = arith.andi %mul3A_1, %and3A_2 : vector<16xi32>
    %broadcast_in_dim3A = arith.constant 0.000000e+00 : f32
    %broadcast_in_dim3A_4 = vector.broadcast %broadcast_in_dim3A : f32 to vector<16xf32>
    %mul3A_5 = arith.constant 512 : i32
    %mul3A_6 = arith.muli %arg1, %mul3A_5 : i32
    %multiple_of3A = tpu.assume_multiple %mul3A_6, 512 : i32
    "tpu.region"() ({
      %run_scoped3A = tpu.sem_alloc : memref<!tpu.dma_semaphore, #tpu.memory_space<semaphore_mem>>
      %dma_start3A = tpu.memref_slice %arg2[%multiple_of3A] : memref<16384xi32, #tpu.memory_space<hbm>> -> memref<512xi32, #tpu.memory_space<hbm>>
      %dma_start3A_27 = tpu.memref_slice %arg2[%multiple_of3A] : memref<16384xi32, #tpu.memory_space<hbm>> -> memref<512xi32, #tpu.memory_space<hbm>>
      tpu.enqueue_dma source(%dma_start3A_27 : memref<512xi32, #tpu.memory_space<hbm>>) target(%arg7 : memref<512xi32, #tpu.memory_space<vmem>>) target_semaphore(%run_scoped3A : memref<!tpu.dma_semaphore, #tpu.memory_space<semaphore_mem>>)
      %dma_wait3A = tpu.memref_slice %arg2[%multiple_of3A] : memref<16384xi32, #tpu.memory_space<hbm>> -> memref<512xi32, #tpu.memory_space<hbm>>
      %dma_wait3A_28 = tpu.memref_slice %arg2[%multiple_of3A] : memref<16384xi32, #tpu.memory_space<hbm>> -> memref<512xi32, #tpu.memory_space<hbm>>
      tpu.wait_dma2 semaphore(%run_scoped3A : memref<!tpu.dma_semaphore, #tpu.memory_space<semaphore_mem>>) src(%dma_wait3A_28 : memref<512xi32, #tpu.memory_space<hbm>>) dst(%arg7 : memref<512xi32, #tpu.memory_space<vmem>>)
      tpu.yield
    }) : () -> ()
    %mul3A_7 = arith.constant 512 : i32
    %mul3A_8 = arith.muli %arg1, %mul3A_7 : i32
    %mul3A_9 = arith.constant 20 : i32
    %mul3A_10 = arith.muli %mul3A_8, %mul3A_9 : i32
    %multiple_of3A_11 = tpu.assume_multiple %mul3A_10, 10240 : i32
    "tpu.region"() ({
      %run_scoped3A = tpu.sem_alloc : memref<!tpu.dma_semaphore, #tpu.memory_space<semaphore_mem>>
      %dma_start3A = tpu.memref_slice %arg3[%multiple_of3A_11] : memref<327680xi32, #tpu.memory_space<hbm>> -> memref<10240xi32, #tpu.memory_space<hbm>>
      %dma_start3A_27 = tpu.memref_slice %arg3[%multiple_of3A_11] : memref<327680xi32, #tpu.memory_space<hbm>> -> memref<10240xi32, #tpu.memory_space<hbm>>
      tpu.enqueue_dma source(%dma_start3A_27 : memref<10240xi32, #tpu.memory_space<hbm>>) target(%arg8 : memref<10240xi32, #tpu.memory_space<vmem>>) target_semaphore(%run_scoped3A : memref<!tpu.dma_semaphore, #tpu.memory_space<semaphore_mem>>)
      %dma_wait3A = tpu.memref_slice %arg3[%multiple_of3A_11] : memref<327680xi32, #tpu.memory_space<hbm>> -> memref<10240xi32, #tpu.memory_space<hbm>>
      %dma_wait3A_28 = tpu.memref_slice %arg3[%multiple_of3A_11] : memref<327680xi32, #tpu.memory_space<hbm>> -> memref<10240xi32, #tpu.memory_space<hbm>>
      tpu.wait_dma2 semaphore(%run_scoped3A : memref<!tpu.dma_semaphore, #tpu.memory_space<semaphore_mem>>) src(%dma_wait3A_28 : memref<10240xi32, #tpu.memory_space<hbm>>) dst(%arg8 : memref<10240xi32, #tpu.memory_space<vmem>>)
      tpu.yield
    }) : () -> ()
    %mul3A_12 = arith.constant 512 : i32
    %mul3A_13 = arith.muli %arg1, %mul3A_12 : i32
    %mul3A_14 = arith.constant 20 : i32
    %mul3A_15 = arith.muli %mul3A_13, %mul3A_14 : i32
    %multiple_of3A_16 = tpu.assume_multiple %mul3A_15, 10240 : i32
    "tpu.region"() ({
      %run_scoped3A = tpu.sem_alloc : memref<!tpu.dma_semaphore, #tpu.memory_space<semaphore_mem>>
      %dma_start3A = tpu.memref_slice %arg4[%multiple_of3A_16] : memref<327680xi32, #tpu.memory_space<hbm>> -> memref<10240xi32, #tpu.memory_space<hbm>>
      %dma_start3A_27 = tpu.memref_slice %arg4[%multiple_of3A_16] : memref<327680xi32, #tpu.memory_space<hbm>> -> memref<10240xi32, #tpu.memory_space<hbm>>
      tpu.enqueue_dma source(%dma_start3A_27 : memref<10240xi32, #tpu.memory_space<hbm>>) target(%arg9 : memref<10240xi32, #tpu.memory_space<vmem>>) target_semaphore(%run_scoped3A : memref<!tpu.dma_semaphore, #tpu.memory_space<semaphore_mem>>)
      %dma_wait3A = tpu.memref_slice %arg4[%multiple_of3A_16] : memref<327680xi32, #tpu.memory_space<hbm>> -> memref<10240xi32, #tpu.memory_space<hbm>>
      %dma_wait3A_28 = tpu.memref_slice %arg4[%multiple_of3A_16] : memref<327680xi32, #tpu.memory_space<hbm>> -> memref<10240xi32, #tpu.memory_space<hbm>>
      tpu.wait_dma2 semaphore(%run_scoped3A : memref<!tpu.dma_semaphore, #tpu.memory_space<semaphore_mem>>) src(%dma_wait3A_28 : memref<10240xi32, #tpu.memory_space<hbm>>) dst(%arg9 : memref<10240xi32, #tpu.memory_space<vmem>>)
      tpu.yield
    }) : () -> ()
    %eq3A = arith.constant 0 : i32
    %eq3A_17 = arith.cmpi eq, %arg0, %eq3A : i32
    %convert_element_type3A = arith.extui %eq3A_17 : i1 to i32
    %cond3A = arith.constant 0 : i32
    %cond3A_18 = arith.cmpi ne, %convert_element_type3A, %cond3A : i32
    scf.if %cond3A_18 {
      %dma_start3A = arith.constant 0 : i32
      %dma_start3A_27 = tpu.memref_slice %arg7[%dma_start3A] : memref<512xi32, #tpu.memory_space<vmem>> -> memref<16xi32, #tpu.memory_space<vmem>>
      %dma_start3A_28 = arith.constant 0 : i32
      %dma_start3A_29 = arith.constant 0 : i32
      %dma_start3A_30 = tpu.memref_slice %arg5[%dma_start3A_28, %dma_start3A_29] : memref<1000000x64xf32, #tpu.memory_space<hbm>> -> memref<1000000x64xf32, #tpu.memory_space<hbm>>
      tpu.enqueue_indirect_dma source(%dma_start3A_30 : memref<1000000x64xf32, #tpu.memory_space<hbm>>) target(%arg10 : memref<16x64xf32, #tpu.memory_space<vmem>>) offsets(%dma_start3A_27 : memref<16xi32, #tpu.memory_space<vmem>>) semaphore(%arg17 : memref<!tpu.dma_semaphore, #tpu.memory_space<semaphore_mem>>)
      %dma_start3A_31 = arith.constant 0 : i32
      %dma_start3A_32 = tpu.memref_slice %arg8[%dma_start3A_31] : memref<10240xi32, #tpu.memory_space<vmem>> -> memref<320xi32, #tpu.memory_space<vmem>>
      %dma_start3A_33 = arith.constant 0 : i32
      %dma_start3A_34 = arith.constant 0 : i32
      %dma_start3A_35 = tpu.memref_slice %arg5[%dma_start3A_33, %dma_start3A_34] : memref<1000000x64xf32, #tpu.memory_space<hbm>> -> memref<1000000x64xf32, #tpu.memory_space<hbm>>
      tpu.enqueue_indirect_dma source(%dma_start3A_35 : memref<1000000x64xf32, #tpu.memory_space<hbm>>) target(%arg11 : memref<320x64xf32, #tpu.memory_space<vmem>>) offsets(%dma_start3A_32 : memref<320xi32, #tpu.memory_space<vmem>>) semaphore(%arg17 : memref<!tpu.dma_semaphore, #tpu.memory_space<semaphore_mem>>)
      %dma_start3A_36 = arith.constant 0 : i32
      %dma_start3A_37 = tpu.memref_slice %arg9[%dma_start3A_36] : memref<10240xi32, #tpu.memory_space<vmem>> -> memref<320xi32, #tpu.memory_space<vmem>>
      %dma_start3A_38 = arith.constant 0 : i32
      %dma_start3A_39 = arith.constant 0 : i32
      %dma_start3A_40 = tpu.memref_slice %arg5[%dma_start3A_38, %dma_start3A_39] : memref<1000000x64xf32, #tpu.memory_space<hbm>> -> memref<1000000x64xf32, #tpu.memory_space<hbm>>
      tpu.enqueue_indirect_dma source(%dma_start3A_40 : memref<1000000x64xf32, #tpu.memory_space<hbm>>) target(%arg12 : memref<320x64xf32, #tpu.memory_space<vmem>>) offsets(%dma_start3A_37 : memref<320xi32, #tpu.memory_space<vmem>>) semaphore(%arg17 : memref<!tpu.dma_semaphore, #tpu.memory_space<semaphore_mem>>)
    } else {
    }
    %eq3A_19 = arith.constant 0 : i32
    %eq3A_20 = arith.cmpi eq, %arg0, %eq3A_19 : i32
    %convert_element_type3A_21 = arith.extui %eq3A_20 : i1 to i32
    %cond3A_22 = arith.constant 0 : i32
    %cond3A_23 = arith.cmpi ne, %convert_element_type3A_21, %cond3A_22 : i32
    scf.if %cond3A_23 {
      %scan3A = arith.constant 0 : i32
      %scan3A_27 = arith.constant 16 : i32
      %scan3A_28 = arith.addi %scan3A, %scan3A_27 : i32
      %scan3A_29 = arith.constant 1 : i32
      scf.for %scan3A_31 = %scan3A to %scan3A_28 step %scan3A_29  : i32 {
        %mul3A_32 = arith.constant 2 : i32
        %mul3A_33 = arith.muli %scan3A_31, %mul3A_32 : i32
        %mul3A_34 = arith.constant 2 : i32
        %mul3A_35 = arith.muli %scan3A_31, %mul3A_34 : i32
        %add3A = arith.constant 1 : i32
        %add3A_36 = arith.addi %mul3A_35, %add3A : i32
        %mul3A_37 = arith.constant 16 : i32
        %mul3A_38 = arith.muli %add3A_36, %mul3A_37 : i32
        %dma_start3A = tpu.memref_slice %arg7[%mul3A_38] : memref<512xi32, #tpu.memory_space<vmem>> -> memref<16xi32, #tpu.memory_space<vmem>>
        %dma_start3A_39 = arith.constant 0 : i32
        %dma_start3A_40 = arith.constant 0 : i32
        %dma_start3A_41 = tpu.memref_slice %arg5[%dma_start3A_39, %dma_start3A_40] : memref<1000000x64xf32, #tpu.memory_space<hbm>> -> memref<1000000x64xf32, #tpu.memory_space<hbm>>
        tpu.enqueue_indirect_dma source(%dma_start3A_41 : memref<1000000x64xf32, #tpu.memory_space<hbm>>) target(%arg13 : memref<16x64xf32, #tpu.memory_space<vmem>>) offsets(%dma_start3A : memref<16xi32, #tpu.memory_space<vmem>>) semaphore(%arg18 : memref<!tpu.dma_semaphore, #tpu.memory_space<semaphore_mem>>)
        %mul3A_42 = arith.constant 16 : i32
        %mul3A_43 = arith.muli %add3A_36, %mul3A_42 : i32
        %mul3A_44 = arith.constant 20 : i32
        %mul3A_45 = arith.muli %mul3A_43, %mul3A_44 : i32
        %dma_start3A_46 = tpu.memref_slice %arg8[%mul3A_45] : memref<10240xi32, #tpu.memory_space<vmem>> -> memref<320xi32, #tpu.memory_space<vmem>>
        %dma_start3A_47 = arith.constant 0 : i32
        %dma_start3A_48 = arith.constant 0 : i32
        %dma_start3A_49 = tpu.memref_slice %arg5[%dma_start3A_47, %dma_start3A_48] : memref<1000000x64xf32, #tpu.memory_space<hbm>> -> memref<1000000x64xf32, #tpu.memory_space<hbm>>
        tpu.enqueue_indirect_dma source(%dma_start3A_49 : memref<1000000x64xf32, #tpu.memory_space<hbm>>) target(%arg14 : memref<320x64xf32, #tpu.memory_space<vmem>>) offsets(%dma_start3A_46 : memref<320xi32, #tpu.memory_space<vmem>>) semaphore(%arg18 : memref<!tpu.dma_semaphore, #tpu.memory_space<semaphore_mem>>)
        %mul3A_50 = arith.constant 16 : i32
        %mul3A_51 = arith.muli %add3A_36, %mul3A_50 : i32
        %mul3A_52 = arith.constant 20 : i32
        %mul3A_53 = arith.muli %mul3A_51, %mul3A_52 : i32
        %dma_start3A_54 = tpu.memref_slice %arg9[%mul3A_53] : memref<10240xi32, #tpu.memory_space<vmem>> -> memref<320xi32, #tpu.memory_space<vmem>>
        %dma_start3A_55 = arith.constant 0 : i32
        %dma_start3A_56 = arith.constant 0 : i32
        %dma_start3A_57 = tpu.memref_slice %arg5[%dma_start3A_55, %dma_start3A_56] : memref<1000000x64xf32, #tpu.memory_space<hbm>> -> memref<1000000x64xf32, #tpu.memory_space<hbm>>
        tpu.enqueue_indirect_dma source(%dma_start3A_57 : memref<1000000x64xf32, #tpu.memory_space<hbm>>) target(%arg15 : memref<320x64xf32, #tpu.memory_space<vmem>>) offsets(%dma_start3A_54 : memref<320xi32, #tpu.memory_space<vmem>>) semaphore(%arg18 : memref<!tpu.dma_semaphore, #tpu.memory_space<semaphore_mem>>)
        %mul3A_58 = arith.constant 16 : i32
        %mul3A_59 = arith.muli %mul3A_33, %mul3A_58 : i32
        %dma_wait3A = tpu.memref_slice %arg7[%mul3A_59] : memref<512xi32, #tpu.memory_space<vmem>> -> memref<16xi32, #tpu.memory_space<vmem>>
        %dma_wait3A_60 = arith.constant 0 : i32
        %dma_wait3A_61 = arith.constant 0 : i32
        %dma_wait3A_62 = tpu.memref_slice %arg5[%dma_wait3A_60, %dma_wait3A_61] : memref<1000000x64xf32, #tpu.memory_space<hbm>> -> memref<1000000x64xf32, #tpu.memory_space<hbm>>
        tpu.wait_indirect_dma semaphore(%arg17 : memref<!tpu.dma_semaphore, #tpu.memory_space<semaphore_mem>>) src(%dma_wait3A_62 : memref<1000000x64xf32, #tpu.memory_space<hbm>>) dst(%arg10 : memref<16x64xf32, #tpu.memory_space<vmem>>)
        %mul3A_63 = arith.constant 16 : i32
        %mul3A_64 = arith.muli %mul3A_33, %mul3A_63 : i32
        %mul3A_65 = arith.constant 20 : i32
        %mul3A_66 = arith.muli %mul3A_64, %mul3A_65 : i32
        %dma_wait3A_67 = tpu.memref_slice %arg8[%mul3A_66] : memref<10240xi32, #tpu.memory_space<vmem>> -> memref<320xi32, #tpu.memory_space<vmem>>
        %dma_wait3A_68 = arith.constant 0 : i32
        %dma_wait3A_69 = arith.constant 0 : i32
        %dma_wait3A_70 = tpu.memref_slice %arg5[%dma_wait3A_68, %dma_wait3A_69] : memref<1000000x64xf32, #tpu.memory_space<hbm>> -> memref<1000000x64xf32, #tpu.memory_space<hbm>>
        tpu.wait_indirect_dma semaphore(%arg17 : memref<!tpu.dma_semaphore, #tpu.memory_space<semaphore_mem>>) src(%dma_wait3A_70 : memref<1000000x64xf32, #tpu.memory_space<hbm>>) dst(%arg11 : memref<320x64xf32, #tpu.memory_space<vmem>>)
        %mul3A_71 = arith.constant 16 : i32
        %mul3A_72 = arith.muli %mul3A_33, %mul3A_71 : i32
        %mul3A_73 = arith.constant 20 : i32
        %mul3A_74 = arith.muli %mul3A_72, %mul3A_73 : i32
        %dma_wait3A_75 = tpu.memref_slice %arg9[%mul3A_74] : memref<10240xi32, #tpu.memory_space<vmem>> -> memref<320xi32, #tpu.memory_space<vmem>>
        %dma_wait3A_76 = arith.constant 0 : i32
        %dma_wait3A_77 = arith.constant 0 : i32
        %dma_wait3A_78 = tpu.memref_slice %arg5[%dma_wait3A_76, %dma_wait3A_77] : memref<1000000x64xf32, #tpu.memory_space<hbm>> -> memref<1000000x64xf32, #tpu.memory_space<hbm>>
        tpu.wait_indirect_dma semaphore(%arg17 : memref<!tpu.dma_semaphore, #tpu.memory_space<semaphore_mem>>) src(%dma_wait3A_78 : memref<1000000x64xf32, #tpu.memory_space<hbm>>) dst(%arg12 : memref<320x64xf32, #tpu.memory_space<vmem>>)
        %lt3A = arith.constant 15 : i32
        %lt3A_79 = arith.cmpi slt, %scan3A_31, %lt3A : i32
        %convert_element_type3A_80 = arith.extui %lt3A_79 : i1 to i32
        %cond3A_81 = arith.constant 0 : i32
        %cond3A_82 = arith.cmpi ne, %convert_element_type3A_80, %cond3A_81 : i32
        scf.if %cond3A_82 {
          %add3A_105 = arith.constant 2 : i32
          %add3A_106 = arith.addi %mul3A_33, %add3A_105 : i32
          %mul3A_107 = arith.constant 16 : i32
          %mul3A_108 = arith.muli %add3A_106, %mul3A_107 : i32
          %dma_start3A_109 = tpu.memref_slice %arg7[%mul3A_108] : memref<512xi32, #tpu.memory_space<vmem>> -> memref<16xi32, #tpu.memory_space<vmem>>
          %dma_start3A_110 = arith.constant 0 : i32
          %dma_start3A_111 = arith.constant 0 : i32
          %dma_start3A_112 = tpu.memref_slice %arg5[%dma_start3A_110, %dma_start3A_111] : memref<1000000x64xf32, #tpu.memory_space<hbm>> -> memref<1000000x64xf32, #tpu.memory_space<hbm>>
          tpu.enqueue_indirect_dma source(%dma_start3A_112 : memref<1000000x64xf32, #tpu.memory_space<hbm>>) target(%arg10 : memref<16x64xf32, #tpu.memory_space<vmem>>) offsets(%dma_start3A_109 : memref<16xi32, #tpu.memory_space<vmem>>) semaphore(%arg17 : memref<!tpu.dma_semaphore, #tpu.memory_space<semaphore_mem>>)
          %mul3A_113 = arith.constant 16 : i32
          %mul3A_114 = arith.muli %add3A_106, %mul3A_113 : i32
          %mul3A_115 = arith.constant 20 : i32
          %mul3A_116 = arith.muli %mul3A_114, %mul3A_115 : i32
          %dma_start3A_117 = tpu.memref_slice %arg8[%mul3A_116] : memref<10240xi32, #tpu.memory_space<vmem>> -> memref<320xi32, #tpu.memory_space<vmem>>
          %dma_start3A_118 = arith.constant 0 : i32
          %dma_start3A_119 = arith.constant 0 : i32
          %dma_start3A_120 = tpu.memref_slice %arg5[%dma_start3A_118, %dma_start3A_119] : memref<1000000x64xf32, #tpu.memory_space<hbm>> -> memref<1000000x64xf32, #tpu.memory_space<hbm>>
          tpu.enqueue_indirect_dma source(%dma_start3A_120 : memref<1000000x64xf32, #tpu.memory_space<hbm>>) target(%arg11 : memref<320x64xf32, #tpu.memory_space<vmem>>) offsets(%dma_start3A_117 : memref<320xi32, #tpu.memory_space<vmem>>) semaphore(%arg17 : memref<!tpu.dma_semaphore, #tpu.memory_space<semaphore_mem>>)
          %mul3A_121 = arith.constant 16 : i32
          %mul3A_122 = arith.muli %add3A_106, %mul3A_121 : i32
          %mul3A_123 = arith.constant 20 : i32
          %mul3A_124 = arith.muli %mul3A_122, %mul3A_123 : i32
          %dma_start3A_125 = tpu.memref_slice %arg9[%mul3A_124] : memref<10240xi32, #tpu.memory_space<vmem>> -> memref<320xi32, #tpu.memory_space<vmem>>
          %dma_start3A_126 = arith.constant 0 : i32
          %dma_start3A_127 = arith.constant 0 : i32
          %dma_start3A_128 = tpu.memref_slice %arg5[%dma_start3A_126, %dma_start3A_127] : memref<1000000x64xf32, #tpu.memory_space<hbm>> -> memref<1000000x64xf32, #tpu.memory_space<hbm>>
          tpu.enqueue_indirect_dma source(%dma_start3A_128 : memref<1000000x64xf32, #tpu.memory_space<hbm>>) target(%arg12 : memref<320x64xf32, #tpu.memory_space<vmem>>) offsets(%dma_start3A_125 : memref<320xi32, #tpu.memory_space<vmem>>) semaphore(%arg17 : memref<!tpu.dma_semaphore, #tpu.memory_space<semaphore_mem>>)
        } else {
        }
        %mul3A_83 = arith.constant 16 : i32
        %mul3A_84 = arith.muli %add3A_36, %mul3A_83 : i32
        %dma_wait3A_85 = tpu.memref_slice %arg7[%mul3A_84] : memref<512xi32, #tpu.memory_space<vmem>> -> memref<16xi32, #tpu.memory_space<vmem>>
        %dma_wait3A_86 = arith.constant 0 : i32
        %dma_wait3A_87 = arith.constant 0 : i32
        %dma_wait3A_88 = tpu.memref_slice %arg5[%dma_wait3A_86, %dma_wait3A_87] : memref<1000000x64xf32, #tpu.memory_space<hbm>> -> memref<1000000x64xf32, #tpu.memory_space<hbm>>
        tpu.wait_indirect_dma semaphore(%arg18 : memref<!tpu.dma_semaphore, #tpu.memory_space<semaphore_mem>>) src(%dma_wait3A_88 : memref<1000000x64xf32, #tpu.memory_space<hbm>>) dst(%arg13 : memref<16x64xf32, #tpu.memory_space<vmem>>)
        %mul3A_89 = arith.constant 16 : i32
        %mul3A_90 = arith.muli %add3A_36, %mul3A_89 : i32
        %mul3A_91 = arith.constant 20 : i32
        %mul3A_92 = arith.muli %mul3A_90, %mul3A_91 : i32
        %dma_wait3A_93 = tpu.memref_slice %arg8[%mul3A_92] : memref<10240xi32, #tpu.memory_space<vmem>> -> memref<320xi32, #tpu.memory_space<vmem>>
        %dma_wait3A_94 = arith.constant 0 : i32
        %dma_wait3A_95 = arith.constant 0 : i32
        %dma_wait3A_96 = tpu.memref_slice %arg5[%dma_wait3A_94, %dma_wait3A_95] : memref<1000000x64xf32, #tpu.memory_space<hbm>> -> memref<1000000x64xf32, #tpu.memory_space<hbm>>
        tpu.wait_indirect_dma semaphore(%arg18 : memref<!tpu.dma_semaphore, #tpu.memory_space<semaphore_mem>>) src(%dma_wait3A_96 : memref<1000000x64xf32, #tpu.memory_space<hbm>>) dst(%arg14 : memref<320x64xf32, #tpu.memory_space<vmem>>)
        %mul3A_97 = arith.constant 16 : i32
        %mul3A_98 = arith.muli %add3A_36, %mul3A_97 : i32
        %mul3A_99 = arith.constant 20 : i32
        %mul3A_100 = arith.muli %mul3A_98, %mul3A_99 : i32
        %dma_wait3A_101 = tpu.memref_slice %arg9[%mul3A_100] : memref<10240xi32, #tpu.memory_space<vmem>> -> memref<320xi32, #tpu.memory_space<vmem>>
        %dma_wait3A_102 = arith.constant 0 : i32
        %dma_wait3A_103 = arith.constant 0 : i32
        %dma_wait3A_104 = tpu.memref_slice %arg5[%dma_wait3A_102, %dma_wait3A_103] : memref<1000000x64xf32, #tpu.memory_space<hbm>> -> memref<1000000x64xf32, #tpu.memory_space<hbm>>
        tpu.wait_indirect_dma semaphore(%arg18 : memref<!tpu.dma_semaphore, #tpu.memory_space<semaphore_mem>>) src(%dma_wait3A_104 : memref<1000000x64xf32, #tpu.memory_space<hbm>>) dst(%arg15 : memref<320x64xf32, #tpu.memory_space<vmem>>)
      }
      %scan3A_30 = arith.constant 16 : i32
    } else {
    }
    %mul3A_24 = arith.constant 512 : i32
    %mul3A_25 = arith.muli %arg1, %mul3A_24 : i32
    %multiple_of3A_26 = tpu.assume_multiple %mul3A_25, 512 : i32
    "tpu.region"() ({
      %run_scoped3A = tpu.sem_alloc : memref<!tpu.dma_semaphore, #tpu.memory_space<semaphore_mem>>
      %dma_start3A = tpu.memref_slice %arg6[%multiple_of3A_26] : memref<16384xf32, #tpu.memory_space<hbm>> -> memref<512xf32, #tpu.memory_space<hbm>>
      %dma_start3A_27 = tpu.memref_slice %arg6[%multiple_of3A_26] : memref<16384xf32, #tpu.memory_space<hbm>> -> memref<512xf32, #tpu.memory_space<hbm>>
      tpu.enqueue_dma source(%arg16 : memref<512xf32, #tpu.memory_space<vmem>>) target(%dma_start3A_27 : memref<512xf32, #tpu.memory_space<hbm>>) target_semaphore(%run_scoped3A : memref<!tpu.dma_semaphore, #tpu.memory_space<semaphore_mem>>)
      %dma_wait3A = tpu.memref_slice %arg6[%multiple_of3A_26] : memref<16384xf32, #tpu.memory_space<hbm>> -> memref<512xf32, #tpu.memory_space<hbm>>
      %dma_wait3A_28 = tpu.memref_slice %arg6[%multiple_of3A_26] : memref<16384xf32, #tpu.memory_space<hbm>> -> memref<512xf32, #tpu.memory_space<hbm>>
      tpu.wait_dma2 semaphore(%run_scoped3A : memref<!tpu.dma_semaphore, #tpu.memory_space<semaphore_mem>>) src(%arg16 : memref<512xf32, #tpu.memory_space<vmem>>) dst(%dma_wait3A_28 : memref<512xf32, #tpu.memory_space<hbm>>)
      tpu.yield
    }) : () -> ()
    return
  }
}

</mosaic_0001>

<sc_bundles>
// kernel: kernel.3.cloned.1.call-start
scs
__scs_entry_jumppad:
0x0: {  	(pc) =	sbr.rel $0x88, $3  }
0x1: {  	(tag) =	ssettag $0x0;
	lr =	simm.s32 $0x1  }
0x2: {  	[smem:$0x3F9D] =	sst lr;
	_ =	strace $0xD0000000  }
0x3: {  	_ = 	snop  }
0x4: {  	_ = 	snop  }
0x5: {  	_ = 	snop  }
0x6: {  	_ = 	snop  }
0x7: {  	_ = 	snop  }
__scs_overlays_trampoline_lowered:
0x8: {  	[smem:$0x3FAC] =	sst s0  }
0x9: {  	[smem:$0x3FAD] =	sst s1  }
0xa: {  	[smem:$0x3FAE] =	sst s2  }
0xb: {  	[smem:$0x3FAF] =	sst s3  }
0xc: {  	[smem:$0x3FB0] =	sst s4  }
0xd: {  	[smem:$0x3FB1] =	sst s5  }
0xe: {  	[smem:$0x3FB2] =	sst s6  }
0xf: {  	[smem:$0x3FB3] =	sst s7  }
0x10: {  	[smem:$0x3FB4] =	sst s8  }
0x11: {  	[smem:$0x3FB5] =	sst s9;
	s0 =	simm.s32 @!p0 $0x0  }
0x12: {  	s1 =	sld [smem:$0x3F9B];
	s0 =	simm.s32 @p0 $0x1  }
0x13: {  	[smem:$0x3FB6] =	sst s0;
	s0 =	simm.s32 @!p1 $0x0  }
0x14: {  	s2 =	sld [smem:$0x3F9A];
	s0 =	simm.s32 @p1 $0x1  }
0x15: {  	[smem:$0x3FB7] =	sst s0;
	s0 =	simm.s32 @!p2 $0x0  }
0x16: {  	s3 =	sld [smem:$0x3FDB];
	s0 =	simm.s32 @p2 $0x1  }
0x17: {  	s4 =	simm.s32 $0x1BF5;
	[smem:$0x3FB9] =	sst s0  }
0x18: {  	s0 =	sld [smem:$0x3F9C];
	_ =	swait.ge [sflag:s4], $0x0  }
0x19: {  	s7 =	sld [smem:$0x3F9D]  }
0x1a: {  	s8 =	sadd.s32 $0xFFFFE003, lr  }
0x1b: {  	s9 =	sadd.s32 $0xFFFFFEF7, lr;
	s5 =	simm.s32 $0xFFFFFFFF;
	p2 =	slt.u32 s8, $0xFFFFF086  }
0x1c: {  	p1 =	slt.u32 s9, $0xF7A;
	s5 =	simm.s32 @!p2 $0x0  }
0x1d: {  	s5 =	simm.s32 @p1 $0x1;
	p0 =	seq.s32 s7, s2  }
0x1e: {  	s7 =	smul.u32 @!p0 $0xF7A, s2;
	p2 =	seq.s32 @!p0 s5, $0x0  }
0x1f: {  	s9 =	smul.u32 $0xF7A, s1;
	s8 =	simm.s32 @!p0 $0x1BF5;
	p2 =	por !p2, p0  }
0x20: {  	[sflag:s8] =	ssyncset.s32 @!p0 $0xFFFFF086;
	s6 =	sadd.s32 @!p0 s3, s7;
	s7 =	simm.s32 @!p0 $0x108  }
0x21: {  	s3 =	sadd.s32 s3, s9;
	s6 =	sadd.s32 @!p0 $0x88, s6;
	s7 =	simm.s32 @p2 $0x1082  }
0x22: {  	[simem:s7], [sflag:s8] =	dma.local @!p0 [hbm:s6], $0xF7A  }
0x23: {  	s9 =	sor.u32 $0xD0000000, s2;
	s6 =	simm.s32 $0x108;
	_ =	swait.ge @!p0 [sflag:s8], $0x0  }
0x24: {  	s3 =	sadd.s32 $0x88, s3;
	s6 =	simm.s32 @!p1 $0x1082;
	[sflag:s4] =	ssyncset.s32 $0xFFFFF086  }
0x25: {  	[simem:s6], [sflag:s4] =	dma.local [hbm:s3], $0xF7A  }
0x26: {  	[smem:$0x3F9D] =	sst s1;
	(tag) =	ssettag s2;
	_ =	strace s9  }
0x27: {  	s1 =	sld [smem:$0x3FAD]  }
0x28: {  	s2 =	sld [smem:$0x3FAE]  }
0x29: {  	s4 =	sld [smem:$0x3FB0]  }
0x2a: {  	p0 =	seq.s32 s5, $0x0;
	s5 =	sld [smem:$0x3FB1]  }
0x2b: {  	s6 =	sld [smem:$0x3FB2]  }
0x2c: {  	s7 =	sld [smem:$0x3FB3]  }
0x2d: {  	s3 =	simm.s32 $0x108;
	s8 =	sld [smem:$0x3FB4]  }
0x2e: {  	s3 =	simm.s32 @!p0 $0x1082;
	s9 =	sld [smem:$0x3FB5]  }
0x2f: {  	lr =	sadd.s32 s0, s3;
	s0 =	sld [smem:$0x3FAC]  }
0x30: {  	s3 =	sld [smem:$0x3FAF]  }
0x31: {  	[smem:$0x3FB8] =	sst s10  }
0x32: {  	s10 =	sld [smem:$0x3FB6];
	_ =	sdelay $0x3  }
0x33: {  	p0 =	seq.s32 s10, $0x1;
	s10 =	sld [smem:$0x3FB8];
	_ =	sdelay $0x3  }
0x34: {  	[smem:$0x3FB8] =	sst s10  }
0x35: {  	s10 =	sld [smem:$0x3FB7];
	_ =	sdelay $0x3  }
0x36: {  	p1 =	seq.s32 s10, $0x1;
	s10 =	sld [smem:$0x3FB8];
	_ =	sdelay $0x3  }
0x37: {  	[smem:$0x3FB8] =	sst s10  }
0x38: {  	s10 =	sld [smem:$0x3FB9]  }
0x39: {  	_ = 	snop;
	(pc) =	sbr.ind lr, $3  }
0x3a: {  	_ = 	snop  }
0x3b: {  	_ = 	snop  }
0x3c: {  	p2 =	seq.s32 s10, $0x1;
	s10 =	sld [smem:$0x3FB8]  }
0x3d: {  	_ =	shalt  }
0x3e: {  	_ =	shalt  }
0x3f: {  	_ =	shalt  }
0x40: {  	_ =	shalt  }
0x41: {  	_ =	shalt  }
0x42: {  	_ =	shalt  }
0x43: {  	_ =	shalt  }
0x44: {  	_ =	shalt  }
0x45: {  	_ =	shalt  }
0x46: {  	_ =	shalt  }
0x47: {  	_ =	shalt  }
0x48: {  	_ =	shalt  }
0x49: {  	_ =	shalt  }
0x4a: {  	_ =	shalt  }
0x4b: {  	_ =	shalt  }
0x4c: {  	_ =	shalt  }
0x4d: {  	_ =	shalt  }
0x4e: {  	_ =	shalt  }
0x4f: {  	_ =	shalt  }
0x50: {  	_ =	shalt  }
0x51: {  	_ =	shalt  }
0x52: {  	_ =	shalt  }
0x53: {  	_ =	shalt  }
0x54: {  	_ =	shalt  }
0x55: {  	_ =	shalt  }
0x56: {  	_ =	shalt  }
0x57: {  	_ =	shalt  }
0x58: {  	_ =	shalt  }
0x59: {  	_ =	shalt  }
0x5a: {  	_ =	shalt  }
0x5b: {  	_ =	shalt  }
0x5c: {  	_ =	shalt  }
0x5d: {  	_ =	shalt  }
0x5e: {  	_ =	shalt  }
0x5f: {  	_ =	shalt  }
0x60: {  	_ =	shalt  }
0x61: {  	_ =	shalt  }
0x62: {  	_ =	shalt  }
0x63: {  	_ =	shalt  }
0x64: {  	_ =	shalt  }
0x65: {  	_ =	shalt  }
0x66: {  	_ =	shalt  }
0x67: {  	_ =	shalt  }
0x68: {  	_ =	shalt  }
0x69: {  	_ =	shalt  }
0x6a: {  	_ =	shalt  }
0x6b: {  	_ =	shalt  }
0x6c: {  	_ =	shalt  }
0x6d: {  	_ =	shalt  }
0x6e: {  	_ =	shalt  }
0x6f: {  	_ =	shalt  }
0x70: {  	_ =	shalt  }
0x71: {  	_ =	shalt  }
0x72: {  	_ =	shalt  }
0x73: {  	_ =	shalt  }
0x74: {  	_ =	shalt  }
0x75: {  	_ =	shalt  }
0x76: {  	_ =	shalt  }
0x77: {  	_ =	shalt  }
0x78: {  	_ =	shalt  }
0x79: {  	_ =	shalt  }
0x7a: {  	_ =	shalt  }
0x7b: {  	_ =	shalt  }
0x7c: {  	_ =	shalt  }
0x7d: {  	_ =	shalt  }
0x7e: {  	_ =	shalt  }
0x7f: {  	_ =	shalt  }
0x80: {  	_ =	shalt  }
0x81: {  	_ =	shalt  }
0x82: {  	_ =	shalt  }
0x83: {  	_ =	shalt  }
0x84: {  	_ =	shalt  }
0x85: {  	_ =	shalt  }
0x86: {  	_ =	shalt  }
0x87: {  	_ =	shalt  }
.Lfunc_end0:
.L_simem_size_0:
called_computation_lowered:
.L_overlay_start_0:
0x88: {  	s2 =	sld [smem:$0x3FD9]  }
0x89: {  	s3 =	sld [smem:$0x3FFE];
	_ =	sdelay $0x1  }
0x8a: {  	s1 =	srdreg.scid  }
0x8b: {  	s0 =	sand.u32 $0x1, s1  }
0x8c: {  	s17 =	sshll.u32 s0, $0xA;
	s2 =	sadd.s32 s3, s2  }
0x8d: {  	s2 =	sadd.s32 s2, s17  }
0x8e: {  	[smem:$0x3FC4] =	sst s2  }
0x8f: {  	_ = 	snop  }
0x90: {  	s2 =	sld [smem:$0x3FC9]  }
0x91: {  	s18 =	sld [smem:$0x3FD0];
	(tm) =	ssettm $0x1  }
0x92: {  	s4 =	sld [smem:$0x3FFB];
	_ =	sdelay $0x3  }
0x93: {  	_ =	strace s4  }
0x94: {  	s4 =	sld [smem:$0x3FFC];
	_ =	sdelay $0x3  }
0x95: {  	_ =	strace s4  }
0x96: {  	s4 =	sld [smem:$0x3FFD];
	_ =	sdelay $0x3  }
0x97: {  	_ =	strace s4  }
0x98: {  	_ =	strace $0x8FFFFFFF  }
0x99: {  	s19 =	sld [smem:$0x3FDB];
	_ =	sdelay $0x1  }
0x9a: {  	s5 =	simm.s32 $_scs_section_size  }
0x9b: {  	s6 =	simm.s32 $_size__tile_overlayer_lowered;
	s7 =	simm.s32 $_tile_overlayer_lowered  }
0x9c: {  	s22 =	simm.s32 $0x1BFF;
	s21 =	sshll.u32 s7, $0x1;
	s4 =	sadd.s32 s5, s19  }
0x9d: {  	s8 =	simm.s32 $0x0;
	s20 =	sshll.u32 s6, $0x1;
	s6 =	sadd.s32 s21, s4  }
0x9e: {  	[timem:s8], [sflag:s22] =	dma.local [hbm:s6], s20  }
0x9f: {  	_ =	swait.ge [sflag:s22], s20  }
0xa0: {  	s5 =	ssub.s32 $0x0, s20;
	[sflag:s22] =	ssyncset.done $0x0  }
0xa1: {  	[sflag:s22] =	ssyncadd.s32 s5;
	_ =	sdelay $0x1  }
0xa2: {  	s23 =	simm.s32 $0x1B8B  }
0xa3: {  	_ =	swait.ge [sflag:s23], $0x1  }
0xa4: {  	[sflag:s23] =	ssyncset.done $0x0  }
0xa5: {  	s25 =	simm.s32 $0x1B8E;
	s24 =	sld [smem:$0x3FFE];
	[sflag:s23] =	ssyncadd.s32 $0xFFFFFFFF  }
0xa6: {  	s26 =	simm.s32 $execute0_lowered;
	[smem:$0x3FD2] =	sst s25  }
0xa7: {  	s6 =	sshll.u32 s26, $0x1;
	_ =	strace $0x80000046;
	[dreg:$0x1] =	wrdreg $0xFFFFFFFF  }
0xa8: {  	s28 =	simm.s32 $_size_execute0_lowered;
	s4 =	sadd.s32 s4, s6;
	[dreg:$0x0] =	wrdreg $0x0  }
0xa9: {  	s6 =	sshll.u32 s28, $0x1;
	[dreg:$0x2] =	wrdreg s4  }
0xaa: {  	[dreg:$0x3] =	wrdreg s6  }
0xab: {  	[dreg:$0x4] =	wrdreg $0xC0  }
0xac: {  	_ =	task [dreg:s8], $0x5FFFF  }
0xad: {  	[dreg:$0x1] =	wrdreg $0xFFFFFFFF  }
0xae: {  	[dreg:$0x0] =	wrdreg $0x60  }
0xaf: {  	[dreg:$0x2] =	wrdreg s2  }
0xb0: {  	[dreg:$0x3] =	wrdreg s24  }
0xb1: {  	[dreg:$0x4] =	wrdreg s18  }
0xb2: {  	[dreg:$0x5] =	wrdreg $0x9  }
0xb3: {  	_ =	task.clear_ibuf [dreg:s8], $0x6FFFF;
	_ =	strace $0x90000046  }
0xb4: {  	s29 =	simm.s32 $0x9;
	_ =	strace $0x80000048  }
0xb5: {  	_ =	swait.ge [sflag:s29], $0x1  }
0xb6: {  	[sflag:s29] =	ssyncadd.s32 $0xFFFFFFFF  }
0xb7: {  	_ =	strace $0x90000048  }
0xb8: {  	_ =	sfence  }
0xb9: {  	s30 =	sld [smem:$0x0];
	_ =	sdelay $0x2  }
0xba: {  	s31 =	sshll.u32 s1, $0xD;
	s1 =	sshrl.u32 s1, $0x2  }
0xbb: {  	s3 =	sand.u32 $0x4000, s31;
	s1 =	sadd.s32 s1, s30  }
0xbc: {  	s0 =	sor.u32 s3, s0;
	s1 =	sshll.u32 s1, $0x11  }
0xbd: {  	s0 =	sor.u32 s1, s0  }
0xbe: {  	s0 =	sadd.s32 $0x8F2B, s0  }
0xbf: {  	[sflag:s0] =	ssyncadd.remote.s32 $0x1  }
0xc0: {  	_ =	sfence.sel $0xFFFF  }
0xc1: {  	[dreg:$0x0] =	wrdreg $0xFFFFFFFF;
	(pc) =	sbr.abs _section_cstart, $3  }
0xc2: {  	[dreg:$0x1] =	wrdreg $0xFFFFFFFF  }
0xc3: {  	_ =	task.clear_ibuf [dreg:s8], $0x2FFFF;
	_ =	strace $0x9FFFFFFF  }
0xc4: {  	(tm) =	ssettm $0x7FFFFFFF  }
0xc5: {  	_ =	shalt  }
tec
execute0_lowered:
.L_overlay_start_1:
0x0: {  	(tag) =	ssettag $0x1  }
0x1: {  	s4 =	rddreg [dreg:$0x0]  }
0x2: {  	s3 =	rddreg [dreg:$0x1]  }
0x3: {  	s7 =	rddreg [dreg:$0x2]  }
0x4: {  	s1 =	stileid.u32;
	s5 =	srdreg.scid  }
0x5: {  	s2 =	simm.s32 $0x0;
	s11 =	simm.s32 $0x2A00;
	s12 =	simm.s32 $0x5200  }
0x6: {  	s13 =	simm.s32 $0x140;
	s14 =	simm.s32 $0x5600;
	s15 =	simm.s32 $0xA600  }
0x7: {  	s16 =	simm.s32 $0x10;
	s17 =	simm.s32 $0xF600;
	s18 =	simm.s32 $0xFA00  }
0x8: {  	s19 =	simm.s32 $0x14A00;
	s20 =	simm.s32 $0x1;
	s21 =	simm.s32 $0x2  }
0x9: {  	s22 =	simm.s32 $0x1F0;
	s23 =	simm.s32 $0x28C0;
	s24 =	simm.s32 $0x50C0  }
0xa: {  	s25 =	simm.s32 $0x19A00;
	s26 =	simm.s32 $0x0;
	s6 =	smul.u32 $0x500, s1  }
0xb: {  	s9 =	sand.u32 $0x1, s5;
	[smem:$0x7FF] =	sst s2;
	s10 =	sshll.u32 s1, $0x6  }
.Ltmp0:
0xc: {  	s5 =	ssub.s32 $0x2, s9;
	_ =	strace $0x80000047;
	(pc) =	sbr.rel .LBB2_1-.Ltmp0, $4  }
0xd: {  	s4 =	sadd.s32 s4, s10;
	s7 =	sadd.s32 s7, s10;
	p0 =	sne.s32 s9, $0x0  }
0xe: {  	s9 =	simm.s32 $0x3;
	s10 =	simm.s32 $0x200;
	s8 =	sshrl.u32 s5, $0x1  }
0xf: {  	s6 =	sadd.s32 s6, s3;
	s3 =	sadd.s32 $0xF42C00, s3;
	s8 =	ssub.s32 s5, s8  }
0x10: {  	s5 =	sadd.s32 $0xA800, s6;
	s6 =	sadd.s32 $0x800, s6;
	s8 =	smax.u32 s8, $0x1  }
.LBB2_4:
0x11: {  	[sflag:s21] =	ssyncadd.s32 $0xFFFFB000  }
0x12: {  	[tilespmem:s17], [sflag:$0x2] =	stream.indirect.gather [hbm4b:s3+s16], $0x40, s22, s16, $0xb8;
	[tilespmem:$0x19C00] =	vst v63  }
0x13: {  	_ = 	snop  }
0x14: {  	[tilespmem:s18], [sflag:$0x2] =	stream.indirect.gather [hbm4b:s3+s13], $0x40, s23, s13, $0xb8;
	[tilespmem:$0x19C00] =	vst v63  }
0x15: {  	_ = 	snop  }
0x16: {  	[tilespmem:s19], [sflag:$0x2] =	stream.indirect.gather [hbm4b:s3+s13], $0x40, s24, s13, $0xb8;
	[tilespmem:$0x19C00] =	vst v63  }
0x17: {  	_ =	swait.ge [sflag:s20], $0x400  }
0x18: {  	[sflag:s20] =	ssyncset.done $0x0  }
0x19: {  	[sflag:s20] =	ssyncadd.s32 $0xFFFFFC00  }
0x1a: {  	_ =	swait.ge [sflag:s20], $0x5000  }
0x1b: {  	[sflag:s20] =	ssyncset.done $0x0  }
0x1c: {  	[sflag:s20] =	ssyncadd.s32 $0xFFFFB000  }
0x1d: {  	_ =	swait.ge [sflag:s20], $0x5000  }
0x1e: {  	[sflag:s20] =	ssyncset.done $0x0  }
0x1f: {  	[sflag:s20] =	ssyncadd.s32 $0xFFFFB000  }
0x20: {  	_ =	swait.ge [sflag:s21], $0x400  }
0x21: {  	[sflag:s21] =	ssyncset.done $0x0  }
0x22: {  	[sflag:s21] =	ssyncadd.s32 $0xFFFFFC00  }
0x23: {  	_ =	swait.ge [sflag:s21], $0x5000  }
0x24: {  	[sflag:s21] =	ssyncset.done $0x0  }
0x25: {  	[sflag:s21] =	ssyncadd.s32 $0xFFFFB000  }
0x26: {  	_ =	swait.ge [sflag:s21], $0x5000  }
0x27: {  	[sflag:s21] =	ssyncset.done $0x0  }
0x28: {  	[sflag:s21] =	ssyncadd.s32 $0xFFFFB000  }
.LBB2_5:
0x29: {  	s26 =	sadd.s32 $0x1, s26  }
0x2a: {  	p1 =	sne.s32 s26, s8  }
.Ltmp1:
0x2b: {  	_ = 	snop;
	(pc) =	sbr.rel @!p1 .LBB2_6-.Ltmp1, $4  }
0x2c: {  	[hbm4b:s7+s2] =	stream.linear.scatter [tilespmem:s25], [sflag:$0x3], $0x200, $0x38;
	[tilespmem:$0x19C00] =	vst v63  }
0x2d: {  	_ =	swait.ge [sflag:s9], $0x200  }
0x2e: {  	[sflag:s9] =	ssyncset.done $0x0  }
0x2f: {  	[sflag:s9] =	ssyncadd.s32 $0xFFFFFE00  }
.LBB2_1:
0x30: {  	[tilespmem:s2], [sflag:$0x3] =	stream.linear.gather [hbm4b:s4+s2], $0x200, $0x38;
	[tilespmem:$0x19C00] =	vst v63  }
0x31: {  	_ =	swait.ge [sflag:s9], $0x200  }
0x32: {  	[sflag:s9] =	ssyncset.done $0x0  }
0x33: {  	[sflag:s9] =	ssyncadd.s32 $0xFFFFFE00  }
0x34: {  	[tilespmem:s10], [sflag:$0x3] =	stream.linear.gather [hbm4b:s5+s2], $0x2800, $0x38;
	[tilespmem:$0x19C00] =	vst v63  }
0x35: {  	_ =	swait.ge [sflag:s9], $0x2800  }
0x36: {  	[sflag:s9] =	ssyncset.done $0x0  }
.Ltmp2:
0x37: {  	[sflag:s9] =	ssyncadd.s32 $0xFFFFD800;
	(pc) =	sbr.rel @p0 .LBB2_5-.Ltmp2, $4  }
0x38: {  	[tilespmem:s11], [sflag:$0x3] =	stream.linear.gather [hbm4b:s6+s2], $0x2800, $0x38;
	[tilespmem:$0x19C00] =	vst v63  }
0x39: {  	_ =	swait.ge [sflag:s9], $0x2800  }
0x3a: {  	[sflag:s9] =	ssyncset.done $0x0  }
0x3b: {  	[sflag:s9] =	ssyncadd.s32 $0xFFFFD800  }
0x3c: {  	s28 =	simm.s32 $0x10;
	s29 =	simm.s32 $0x0  }
0x3d: {  	[tilespmem:s12], [sflag:$0x1] =	stream.indirect.gather [hbm4b:s3+s28], $0x40, s29, s28, $0xb8;
	[tilespmem:$0x19C00] =	vst v63  }
0x3e: {  	_ = 	snop  }
0x3f: {  	[tilespmem:s14], [sflag:$0x1] =	stream.indirect.gather [hbm4b:s3+s13], $0x40, s10, s13, $0xb8;
	[tilespmem:$0x19C00] =	vst v63  }
0x40: {  	_ = 	snop  }
0x41: {  	[tilespmem:s15], [sflag:$0x1] =	stream.indirect.gather [hbm4b:s3+s13], $0x40, s11, s13, $0xb8;
	[tilespmem:$0x19C00] =	vst v63  }
0x42: {  	_ = 	snop  }
0x43: {  	[tilespmem:s17], [sflag:$0x2] =	stream.indirect.gather [hbm4b:s3+s16], $0x40, s28, s16, $0xb8;
	[tilespmem:$0x19C00] =	vst v63  }
0x44: {  	s28 =	simm.s32 $0x340  }
0x45: {  	[tilespmem:s18], [sflag:$0x2] =	stream.indirect.gather [hbm4b:s3+s13], $0x40, s28, s13, $0xb8;
	[tilespmem:$0x19C00] =	vst v63  }
0x46: {  	s28 =	simm.s32 $0x2B40  }
0x47: {  	[tilespmem:s19], [sflag:$0x2] =	stream.indirect.gather [hbm4b:s3+s13], $0x40, s28, s13, $0xb8;
	[tilespmem:$0x19C00] =	vst v63  }
0x48: {  	_ =	swait.ge [sflag:s20], $0x400  }
0x49: {  	[sflag:s20] =	ssyncset.done $0x0  }
0x4a: {  	[sflag:s20] =	ssyncadd.s32 $0xFFFFFC00  }
0x4b: {  	_ =	swait.ge [sflag:s20], $0x5000  }
0x4c: {  	[sflag:s20] =	ssyncset.done $0x0  }
0x4d: {  	[sflag:s20] =	ssyncadd.s32 $0xFFFFB000  }
0x4e: {  	_ =	swait.ge [sflag:s20], $0x5000  }
0x4f: {  	[sflag:s20] =	ssyncset.done $0x0  }
0x50: {  	s28 =	simm.s32 $0x20;
	[sflag:s20] =	ssyncadd.s32 $0xFFFFB000  }
0x51: {  	[tilespmem:s12], [sflag:$0x1] =	stream.indirect.gather [hbm4b:s3+s16], $0x40, s28, s16, $0xb8;
	[tilespmem:$0x19C00] =	vst v63  }
0x52: {  	s28 =	simm.s32 $0x480  }
0x53: {  	[tilespmem:s14], [sflag:$0x1] =	stream.indirect.gather [hbm4b:s3+s13], $0x40, s28, s13, $0xb8;
	[tilespmem:$0x19C00] =	vst v63  }
0x54: {  	s28 =	simm.s32 $0x2C80  }
0x55: {  	[tilespmem:s15], [sflag:$0x1] =	stream.indirect.gather [hbm4b:s3+s13], $0x40, s28, s13, $0xb8;
	[tilespmem:$0x19C00] =	vst v63  }
0x56: {  	_ =	swait.ge [sflag:s21], $0x400  }
0x57: {  	[sflag:s21] =	ssyncset.done $0x0  }
0x58: {  	[sflag:s21] =	ssyncadd.s32 $0xFFFFFC00  }
0x59: {  	_ =	swait.ge [sflag:s21], $0x5000  }
0x5a: {  	[sflag:s21] =	ssyncset.done $0x0  }
0x5b: {  	[sflag:s21] =	ssyncadd.s32 $0xFFFFB000  }
0x5c: {  	_ =	swait.ge [sflag:s21], $0x5000  }
0x5d: {  	s29 =	simm.s32 $0xA00;
	s28 =	simm.s32 $0x30;
	[sflag:s21] =	ssyncset.done $0x0  }
.LBB2_3:
0x5e: {  	s31 =	smov.u32 s29  }
0x5f: {  	s30 =	sshra.s32 s29, $0x2;
	[sflag:s21] =	ssyncadd.s32 $0xFFFFB000;
	s31 =	sadd.s32 $0xA00, s29  }
0x60: {  	[tilespmem:s17], [sflag:$0x2] =	stream.indirect.gather [hbm4b:s3+s16], $0x40, s28, s16, $0xb8;
	[tilespmem:$0x19C00] =	vst v63  }
0x61: {  	p1 =	sne.s32 s29, $0x8C00;
	s0 =	sadd.s32 $0x340, s30  }
0x62: {  	[tilespmem:s18], [sflag:$0x2] =	stream.indirect.gather [hbm4b:s3+s13], $0x40, s0, s13, $0xb8;
	[tilespmem:$0x19C00] =	vst v63  }
0x63: {  	s0 =	sadd.s32 $0x2B40, s30  }
0x64: {  	[tilespmem:s19], [sflag:$0x2] =	stream.indirect.gather [hbm4b:s3+s13], $0x40, s0, s13, $0xb8;
	[tilespmem:$0x19C00] =	vst v63  }
0x65: {  	_ =	swait.ge [sflag:s20], $0x400  }
0x66: {  	[sflag:s20] =	ssyncset.done $0x0  }
0x67: {  	[sflag:s20] =	ssyncadd.s32 $0xFFFFFC00  }
0x68: {  	_ =	swait.ge [sflag:s20], $0x5000  }
0x69: {  	[sflag:s20] =	ssyncset.done $0x0  }
0x6a: {  	[sflag:s20] =	ssyncadd.s32 $0xFFFFB000  }
0x6b: {  	_ =	swait.ge [sflag:s20], $0x5000  }
0x6c: {  	[sflag:s20] =	ssyncset.done $0x0  }
0x6d: {  	s0 =	sadd.s32 $0x10, s28;
	[sflag:s20] =	ssyncadd.s32 $0xFFFFB000  }
0x6e: {  	[tilespmem:s12], [sflag:$0x1] =	stream.indirect.gather [hbm4b:s3+s16], $0x40, s0, s16, $0xb8;
	[tilespmem:$0x19C00] =	vst v63  }
0x6f: {  	s0 =	sadd.s32 $0x480, s30  }
0x70: {  	[tilespmem:s14], [sflag:$0x1] =	stream.indirect.gather [hbm4b:s3+s13], $0x40, s0, s13, $0xb8;
	[tilespmem:$0x19C00] =	vst v63  }
0x71: {  	s0 =	sadd.s32 $0x2C80, s30  }
0x72: {  	[tilespmem:s15], [sflag:$0x1] =	stream.indirect.gather [hbm4b:s3+s13], $0x40, s0, s13, $0xb8;
	[tilespmem:$0x19C00] =	vst v63  }
0x73: {  	_ =	swait.ge [sflag:s21], $0x400  }
0x74: {  	[sflag:s21] =	ssyncset.done $0x0  }
0x75: {  	[sflag:s21] =	ssyncadd.s32 $0xFFFFFC00  }
.Ltmp3:
0x76: {  	_ =	swait.ge [sflag:s21], $0x5000;
	(pc) =	sbr.rel @p1 .LBB2_3-.Ltmp3, $4  }
0x77: {  	[sflag:s21] =	ssyncset.done $0x0  }
0x78: {  	[sflag:s21] =	ssyncadd.s32 $0xFFFFB000  }
0x79: {  	_ =	swait.ge [sflag:s21], $0x5000  }
0x7a: {  	s29 =	smov.u32 s31;
	s28 =	sadd.s32 $0x20, s28;
	[sflag:s21] =	ssyncset.done $0x0  }
.Ltmp4:
0x7b: {  	_ = 	snop;
	(pc) =	sbr.rel .LBB2_4-.Ltmp4, $1  }
0x7c: {  	_ =	sdelay $0x3  }
.LBB2_6:
0x7d: {  	_ =	sfence.sel $0x180000  }
0x7e: {  	[bflag:$0x0] =	sbarrier.arrive $0xFFFF  }
0x7f: {  	_ =	strace $0x90000047  }
0x80: {  	[bflag:$0x2] =	sbarrier.arrive $0xFFFF  }
0x81: {  	p0 =	sne.s32 s1, $0x0;
	s0 =	rddreg [dreg:$0x3]  }
0x82: {  	s0 =	sadd.s32 @!p0 $0x100000, s0  }
0x83: {  	[sflag:s0] =	ssyncadd.tile.s32 @!p0 $0x1;
	_ =	shalt  }
.Lfunc_end2:
_tile_overlayer_lowered:
.L_overlay_start_2:
0x84: {  	(tag) =	ssettag $0x2  }
0x85: {  	s0 =	rddreg [dreg:$0x0];
	s2 =	stileid.u32  }
0x86: {  	s1 =	rddreg [dreg:$0x1];
	p0 =	sne.s32 s2, $0x0  }
0x87: {  	s3 =	rddreg [dreg:$0x2];
	[bflag:$0x3] =	sbarrier.arrive $0xFFFF;
	s2 =	simm.s32 @!p0 $0x1C03  }
0x88: {  	[timem:s3], [sflag:s2] =	dma.local @!p0 [hbm:s0], s1  }
0x89: {  	s0 =	simm.s32 @!p0 $0x3  }
0x8a: {  	_ =	swait.ge @!p0 [sflag:s0], s1  }
0x8b: {  	s1 =	ssub.s32 @!p0 $0x0, s1;
	[sflag:s0] =	ssyncset.done @!p0 $0x0  }
0x8c: {  	[sflag:s0] =	ssyncadd.s32 @!p0 s1  }
0x8d: {  	[bflag:$0x3] =	sbarrier.arrive $0xFFFF  }
0x8e: {  	_ =	shalt  }

</sc_bundles>
